<compile_context>
chip_gen: v7x
topology: tpu7x:2x2x1
jax: 0.10.2.dev20260603
libtpu: 0.0.44.dev20260713+nightly
codegen_flags: <defaults>
</compile_context>

<pallas_src>
import functools

import jax
import jax.numpy as jnp
from jax import lax
from jax.experimental import pallas as pl
from jax.experimental.pallas import tpu as pltpu
from jax.experimental.pallas import tpu_sc as plsc

VOCAB = 100000
EMBED_DIM = 512
BATCH = 4096
SEQ = 50

NUM_CORES = 2
NUM_SUBCORES = 16
NUM_WORKERS = NUM_CORES * NUM_SUBCORES
TOTAL_ROWS = BATCH * SEQ
ROWS_PER_WORKER = TOTAL_ROWS // NUM_WORKERS
CHUNK = 80
NCHUNK = ROWS_PER_WORKER // CHUNK

_mesh = plsc.VectorSubcoreMesh(core_axis_name="c", subcore_axis_name="s")


@functools.partial(
    pl.kernel,
    mesh=_mesh,
    out_type=jax.ShapeDtypeStruct((TOTAL_ROWS, EMBED_DIM), jnp.float32),
    scratch_types=[
        pltpu.VMEM((ROWS_PER_WORKER,), jnp.int32),
        pltpu.VMEM((CHUNK, EMBED_DIM), jnp.float32),
        pltpu.VMEM((CHUNK, EMBED_DIM), jnp.float32),
        pltpu.SemaphoreType.DMA,
        pltpu.SemaphoreType.DMA,
    ],
)
def _embed_gather(table_hbm, idx_hbm, out_hbm, idx_v, buf0, buf1, gsem, ssem):
    wid = lax.axis_index("s") * NUM_CORES + lax.axis_index("c")
    base = wid * ROWS_PER_WORKER
    pltpu.sync_copy(idx_hbm.at[pl.ds(base, ROWS_PER_WORKER)], idx_v)
    bufs = (buf0, buf1)

    def gather(g, buf):
        return pltpu.make_async_copy(
            table_hbm.at[idx_v.at[pl.ds(g * CHUNK, CHUNK)]], buf, gsem)

    def store(g, buf):
        return pltpu.make_async_copy(
            buf, out_hbm.at[pl.ds(base + g * CHUNK, CHUNK)], ssem)

    gather(0, buf0).start()
    gather(0, buf0).wait()
    gather(1, buf1).start()
    store(0, buf0).start()

    def pair(t, carry):
        for p_off in (0, 1):
            g = 1 + 2 * t + p_off
            p = (1 + p_off) % 2
            buf, other = bufs[p], bufs[1 - p]
            gather(g, buf).wait()
            store(g - 1, other).wait()
            gather(g + 1, other).start()
            store(g, buf).start()
        return carry

    lax.fori_loop(0, (NCHUNK - 2) // 2, pair, None)

    last = NCHUNK - 1
    gather(last, bufs[last % 2]).wait()
    store(last - 1, bufs[(last - 1) % 2]).wait()
    store(last, bufs[last % 2]).start()
    store(last, bufs[last % 2]).wait()


def kernel(input_sequence, embedding_weight):
    idx = input_sequence.astype(jnp.int32).T.reshape(-1)
    out = _embed_gather(embedding_weight, idx)
    return out.reshape(SEQ, BATCH, EMBED_DIM).transpose(1, 0, 2)

# --- scband reference (transcript-rebuilt; emitter-appended) ---
"""Pipeline reference for scband-share-embedding-82102594831161 (READ-ONLY COPY).

The authoritative reference and input builder live on the scoring server;
editing this copy changes nothing except your own understanding.
"""

import jax, jax.numpy as jnp
import numpy as np

VOCAB = 100000
EMBED_DIM = 512
BATCH = 4096
SEQ = 50

def setup_inputs(seed: int = 0) -> dict:
    key = jax.random.key(seed)
    k_idx, k_tab = jax.random.split(key)
    input_sequence = jax.random.randint(k_idx, (BATCH, SEQ), 0, VOCAB, dtype=jnp.int64 if jax.config.jax_enable_x64 else jnp.int32)
    # nn.Embedding weight initialized uniform_(-0.1, 0.1)
    embedding_weight = jax.random.uniform(k_tab, (VOCAB, EMBED_DIM), dtype=jnp.float32, minval=-0.1, maxval=0.1)
    return {"input_sequence": input_sequence, "embedding_weight": embedding_weight}

def reference(input_sequence, embedding_weight):
    # single_word=True path: plain embedding lookup
    result = jnp.take(embedding_weight, input_sequence, axis=0)
    return result

if __name__ == "__main__":
    import jax
    _d = setup_inputs()
    print(jax.jit(kernel)(*tuple(_d.values())))

</pallas_src>

<mosaic_0001>
#map = affine_map<(d0, d1) -> (0, 0)>
#map1 = affine_map<(d0, d1) -> (0)>
module attributes {stable_mosaic.version = 14 : i64} {
  func.func @_embed_gather(%arg0: i32, %arg1: i32, %arg2: memref<100000x512xf32, #tpu.memory_space<hbm>>, %arg3: memref<204800xi32, #tpu.memory_space<hbm>>, %arg4: memref<204800x512xf32, #tpu.memory_space<hbm>>, %arg5: memref<6400xi32, #tpu.memory_space<vmem>>, %arg6: memref<80x512xf32, #tpu.memory_space<vmem>>, %arg7: memref<80x512xf32, #tpu.memory_space<vmem>>, %arg8: memref<!tpu.dma_semaphore, #tpu.memory_space<semaphore_mem>>, %arg9: memref<!tpu.dma_semaphore, #tpu.memory_space<semaphore_mem>>) attributes {dimension_semantics = [#tpu.dimension_semantics<core_parallel>, #tpu.dimension_semantics<subcore_parallel>], iteration_bounds = array<i64: 2, 16>, scalar_prefetch = 0 : i64, scratch_operands = 5 : i64, tpu.core_type = #tpu.core_type<sc_vector_subcore>, window_params = [{transform_indices = #map}, {transform_indices = #map1}, {transform_indices = #map}]} {
    %mul3A = arith.constant 2 : i32
    %mul3A_0 = arith.muli %arg1, %mul3A : i32
    %add3A = arith.addi %mul3A_0, %arg0 : i32
    %mul3A_1 = arith.constant 6400 : i32
    %mul3A_2 = arith.muli %add3A, %mul3A_1 : i32
    "tpu.region"() ({
      %run_scoped3A = tpu.sem_alloc : memref<!tpu.dma_semaphore, #tpu.memory_space<semaphore_mem>>
      %dma_start3A_49 = tpu.memref_slice %arg3[%mul3A_2] : memref<204800xi32, #tpu.memory_space<hbm>> -> memref<6400xi32, #tpu.memory_space<hbm>>
      %dma_start3A_50 = tpu.memref_slice %arg3[%mul3A_2] : memref<204800xi32, #tpu.memory_space<hbm>> -> memref<6400xi32, #tpu.memory_space<hbm>>
      tpu.enqueue_dma source(%dma_start3A_50 : memref<6400xi32, #tpu.memory_space<hbm>>) target(%arg5 : memref<6400xi32, #tpu.memory_space<vmem>>) target_semaphore(%run_scoped3A : memref<!tpu.dma_semaphore, #tpu.memory_space<semaphore_mem>>)
      %dma_wait3A_51 = tpu.memref_slice %arg3[%mul3A_2] : memref<204800xi32, #tpu.memory_space<hbm>> -> memref<6400xi32, #tpu.memory_space<hbm>>
      %dma_wait3A_52 = tpu.memref_slice %arg3[%mul3A_2] : memref<204800xi32, #tpu.memory_space<hbm>> -> memref<6400xi32, #tpu.memory_space<hbm>>
      tpu.wait_dma2 semaphore(%run_scoped3A : memref<!tpu.dma_semaphore, #tpu.memory_space<semaphore_mem>>) src(%dma_wait3A_52 : memref<6400xi32, #tpu.memory_space<hbm>>) dst(%arg5 : memref<6400xi32, #tpu.memory_space<vmem>>)
      tpu.yield
    }) : () -> ()
    %dma_start3A = arith.constant 0 : i32
    %dma_start3A_3 = tpu.memref_slice %arg5[%dma_start3A] : memref<6400xi32, #tpu.memory_space<vmem>> -> memref<80xi32, #tpu.memory_space<vmem>>
    %dma_start3A_4 = arith.constant 0 : i32
    %dma_start3A_5 = arith.constant 0 : i32
    %dma_start3A_6 = tpu.memref_slice %arg2[%dma_start3A_4, %dma_start3A_5] : memref<100000x512xf32, #tpu.memory_space<hbm>> -> memref<100000x512xf32, #tpu.memory_space<hbm>>
    tpu.enqueue_indirect_dma source(%dma_start3A_6 : memref<100000x512xf32, #tpu.memory_space<hbm>>) target(%arg6 : memref<80x512xf32, #tpu.memory_space<vmem>>) offsets(%dma_start3A_3 : memref<80xi32, #tpu.memory_space<vmem>>) semaphore(%arg8 : memref<!tpu.dma_semaphore, #tpu.memory_space<semaphore_mem>>)
    %dma_wait3A = arith.constant 0 : i32
    %dma_wait3A_7 = tpu.memref_slice %arg5[%dma_wait3A] : memref<6400xi32, #tpu.memory_space<vmem>> -> memref<80xi32, #tpu.memory_space<vmem>>
    %dma_wait3A_8 = arith.constant 0 : i32
    %dma_wait3A_9 = arith.constant 0 : i32
    %dma_wait3A_10 = tpu.memref_slice %arg2[%dma_wait3A_8, %dma_wait3A_9] : memref<100000x512xf32, #tpu.memory_space<hbm>> -> memref<100000x512xf32, #tpu.memory_space<hbm>>
    tpu.wait_indirect_dma semaphore(%arg8 : memref<!tpu.dma_semaphore, #tpu.memory_space<semaphore_mem>>) src(%dma_wait3A_10 : memref<100000x512xf32, #tpu.memory_space<hbm>>) dst(%arg6 : memref<80x512xf32, #tpu.memory_space<vmem>>)
    %dma_start3A_11 = arith.constant 80 : i32
    %dma_start3A_12 = tpu.memref_slice %arg5[%dma_start3A_11] : memref<6400xi32, #tpu.memory_space<vmem>> -> memref<80xi32, #tpu.memory_space<vmem>>
    %dma_start3A_13 = arith.constant 0 : i32
    %dma_start3A_14 = arith.constant 0 : i32
    %dma_start3A_15 = tpu.memref_slice %arg2[%dma_start3A_13, %dma_start3A_14] : memref<100000x512xf32, #tpu.memory_space<hbm>> -> memref<100000x512xf32, #tpu.memory_space<hbm>>
    tpu.enqueue_indirect_dma source(%dma_start3A_15 : memref<100000x512xf32, #tpu.memory_space<hbm>>) target(%arg7 : memref<80x512xf32, #tpu.memory_space<vmem>>) offsets(%dma_start3A_12 : memref<80xi32, #tpu.memory_space<vmem>>) semaphore(%arg8 : memref<!tpu.dma_semaphore, #tpu.memory_space<semaphore_mem>>)
    %add3A_16 = arith.constant 0 : i32
    %add3A_17 = arith.addi %mul3A_2, %add3A_16 : i32
    %dma_start3A_18 = arith.constant 0 : i32
    %dma_start3A_19 = tpu.memref_slice %arg4[%add3A_17, %dma_start3A_18] : memref<204800x512xf32, #tpu.memory_space<hbm>> -> memref<80x512xf32, #tpu.memory_space<hbm>>
    %dma_start3A_20 = arith.constant 0 : i32
    %dma_start3A_21 = tpu.memref_slice %arg4[%add3A_17, %dma_start3A_20] : memref<204800x512xf32, #tpu.memory_space<hbm>> -> memref<80x512xf32, #tpu.memory_space<hbm>>
    tpu.enqueue_dma source(%arg6 : memref<80x512xf32, #tpu.memory_space<vmem>>) target(%dma_start3A_21 : memref<80x512xf32, #tpu.memory_space<hbm>>) target_semaphore(%arg9 : memref<!tpu.dma_semaphore, #tpu.memory_space<semaphore_mem>>)
    %scan3A = arith.constant 0 : i32
    %scan3A_22 = arith.constant 39 : i32
    %scan3A_23 = arith.addi %scan3A, %scan3A_22 : i32
    %scan3A_24 = arith.constant 1 : i32
    scf.for %scan3A_49 = %scan3A to %scan3A_23 step %scan3A_24  : i32 {
      %mul3A_50 = arith.constant 2 : i32
      %mul3A_51 = arith.muli %mul3A_50, %scan3A_49 : i32
      %add3A_52 = arith.constant 1 : i32
      %add3A_53 = arith.addi %add3A_52, %mul3A_51 : i32
      %add3A_54 = arith.constant 0 : i32
      %add3A_55 = arith.addi %add3A_53, %add3A_54 : i32
      %mul3A_56 = arith.constant 80 : i32
      %mul3A_57 = arith.muli %add3A_55, %mul3A_56 : i32
      %dma_wait3A_58 = tpu.memref_slice %arg5[%mul3A_57] : memref<6400xi32, #tpu.memory_space<vmem>> -> memref<80xi32, #tpu.memory_space<vmem>>
      %dma_wait3A_59 = arith.constant 0 : i32
      %dma_wait3A_60 = arith.constant 0 : i32
      %dma_wait3A_61 = tpu.memref_slice %arg2[%dma_wait3A_59, %dma_wait3A_60] : memref<100000x512xf32, #tpu.memory_space<hbm>> -> memref<100000x512xf32, #tpu.memory_space<hbm>>
      tpu.wait_indirect_dma semaphore(%arg8 : memref<!tpu.dma_semaphore, #tpu.memory_space<semaphore_mem>>) src(%dma_wait3A_61 : memref<100000x512xf32, #tpu.memory_space<hbm>>) dst(%arg7 : memref<80x512xf32, #tpu.memory_space<vmem>>)
      %sub3A = arith.constant 1 : i32
      %sub3A_62 = arith.subi %add3A_55, %sub3A : i32
      %mul3A_63 = arith.constant 80 : i32
      %mul3A_64 = arith.muli %sub3A_62, %mul3A_63 : i32
      %add3A_65 = arith.addi %mul3A_2, %mul3A_64 : i32
      %dma_wait3A_66 = arith.constant 0 : i32
      %dma_wait3A_67 = tpu.memref_slice %arg4[%add3A_65, %dma_wait3A_66] : memref<204800x512xf32, #tpu.memory_space<hbm>> -> memref<80x512xf32, #tpu.memory_space<hbm>>
      %dma_wait3A_68 = arith.constant 0 : i32
      %dma_wait3A_69 = tpu.memref_slice %arg4[%add3A_65, %dma_wait3A_68] : memref<204800x512xf32, #tpu.memory_space<hbm>> -> memref<80x512xf32, #tpu.memory_space<hbm>>
      tpu.wait_dma2 semaphore(%arg9 : memref<!tpu.dma_semaphore, #tpu.memory_space<semaphore_mem>>) src(%arg6 : memref<80x512xf32, #tpu.memory_space<vmem>>) dst(%dma_wait3A_69 : memref<80x512xf32, #tpu.memory_space<hbm>>)
      %add3A_70 = arith.constant 1 : i32
      %add3A_71 = arith.addi %add3A_55, %add3A_70 : i32
      %mul3A_72 = arith.constant 80 : i32
      %mul3A_73 = arith.muli %add3A_71, %mul3A_72 : i32
      %dma_start3A_74 = tpu.memref_slice %arg5[%mul3A_73] : memref<6400xi32, #tpu.memory_space<vmem>> -> memref<80xi32, #tpu.memory_space<vmem>>
      %dma_start3A_75 = arith.constant 0 : i32
      %dma_start3A_76 = arith.constant 0 : i32
      %dma_start3A_77 = tpu.memref_slice %arg2[%dma_start3A_75, %dma_start3A_76] : memref<100000x512xf32, #tpu.memory_space<hbm>> -> memref<100000x512xf32, #tpu.memory_space<hbm>>
      tpu.enqueue_indirect_dma source(%dma_start3A_77 : memref<100000x512xf32, #tpu.memory_space<hbm>>) target(%arg6 : memref<80x512xf32, #tpu.memory_space<vmem>>) offsets(%dma_start3A_74 : memref<80xi32, #tpu.memory_space<vmem>>) semaphore(%arg8 : memref<!tpu.dma_semaphore, #tpu.memory_space<semaphore_mem>>)
      %mul3A_78 = arith.constant 80 : i32
      %mul3A_79 = arith.muli %add3A_55, %mul3A_78 : i32
      %add3A_80 = arith.addi %mul3A_2, %mul3A_79 : i32
      %dma_start3A_81 = arith.constant 0 : i32
      %dma_start3A_82 = tpu.memref_slice %arg4[%add3A_80, %dma_start3A_81] : memref<204800x512xf32, #tpu.memory_space<hbm>> -> memref<80x512xf32, #tpu.memory_space<hbm>>
      %dma_start3A_83 = arith.constant 0 : i32
      %dma_start3A_84 = tpu.memref_slice %arg4[%add3A_80, %dma_start3A_83] : memref<204800x512xf32, #tpu.memory_space<hbm>> -> memref<80x512xf32, #tpu.memory_space<hbm>>
      tpu.enqueue_dma source(%arg7 : memref<80x512xf32, #tpu.memory_space<vmem>>) target(%dma_start3A_84 : memref<80x512xf32, #tpu.memory_space<hbm>>) target_semaphore(%arg9 : memref<!tpu.dma_semaphore, #tpu.memory_space<semaphore_mem>>)
      %mul3A_85 = arith.constant 2 : i32
      %mul3A_86 = arith.muli %mul3A_85, %scan3A_49 : i32
      %add3A_87 = arith.constant 1 : i32
      %add3A_88 = arith.addi %add3A_87, %mul3A_86 : i32
      %add3A_89 = arith.constant 1 : i32
      %add3A_90 = arith.addi %add3A_88, %add3A_89 : i32
      %mul3A_91 = arith.constant 80 : i32
      %mul3A_92 = arith.muli %add3A_90, %mul3A_91 : i32
      %dma_wait3A_93 = tpu.memref_slice %arg5[%mul3A_92] : memref<6400xi32, #tpu.memory_space<vmem>> -> memref<80xi32, #tpu.memory_space<vmem>>
      %dma_wait3A_94 = arith.constant 0 : i32
      %dma_wait3A_95 = arith.constant 0 : i32
      %dma_wait3A_96 = tpu.memref_slice %arg2[%dma_wait3A_94, %dma_wait3A_95] : memref<100000x512xf32, #tpu.memory_space<hbm>> -> memref<100000x512xf32, #tpu.memory_space<hbm>>
      tpu.wait_indirect_dma semaphore(%arg8 : memref<!tpu.dma_semaphore, #tpu.memory_space<semaphore_mem>>) src(%dma_wait3A_96 : memref<100000x512xf32, #tpu.memory_space<hbm>>) dst(%arg6 : memref<80x512xf32, #tpu.memory_space<vmem>>)
      %sub3A_97 = arith.constant 1 : i32
      %sub3A_98 = arith.subi %add3A_90, %sub3A_97 : i32
      %mul3A_99 = arith.constant 80 : i32
      %mul3A_100 = arith.muli %sub3A_98, %mul3A_99 : i32
      %add3A_101 = arith.addi %mul3A_2, %mul3A_100 : i32
      %dma_wait3A_102 = arith.constant 0 : i32
      %dma_wait3A_103 = tpu.memref_slice %arg4[%add3A_101, %dma_wait3A_102] : memref<204800x512xf32, #tpu.memory_space<hbm>> -> memref<80x512xf32, #tpu.memory_space<hbm>>
      %dma_wait3A_104 = arith.constant 0 : i32
      %dma_wait3A_105 = tpu.memref_slice %arg4[%add3A_101, %dma_wait3A_104] : memref<204800x512xf32, #tpu.memory_space<hbm>> -> memref<80x512xf32, #tpu.memory_space<hbm>>
      tpu.wait_dma2 semaphore(%arg9 : memref<!tpu.dma_semaphore, #tpu.memory_space<semaphore_mem>>) src(%arg7 : memref<80x512xf32, #tpu.memory_space<vmem>>) dst(%dma_wait3A_105 : memref<80x512xf32, #tpu.memory_space<hbm>>)
      %add3A_106 = arith.constant 1 : i32
      %add3A_107 = arith.addi %add3A_90, %add3A_106 : i32
      %mul3A_108 = arith.constant 80 : i32
      %mul3A_109 = arith.muli %add3A_107, %mul3A_108 : i32
      %dma_start3A_110 = tpu.memref_slice %arg5[%mul3A_109] : memref<6400xi32, #tpu.memory_space<vmem>> -> memref<80xi32, #tpu.memory_space<vmem>>
      %dma_start3A_111 = arith.constant 0 : i32
      %dma_start3A_112 = arith.constant 0 : i32
      %dma_start3A_113 = tpu.memref_slice %arg2[%dma_start3A_111, %dma_start3A_112] : memref<100000x512xf32, #tpu.memory_space<hbm>> -> memref<100000x512xf32, #tpu.memory_space<hbm>>
      tpu.enqueue_indirect_dma source(%dma_start3A_113 : memref<100000x512xf32, #tpu.memory_space<hbm>>) target(%arg7 : memref<80x512xf32, #tpu.memory_space<vmem>>) offsets(%dma_start3A_110 : memref<80xi32, #tpu.memory_space<vmem>>) semaphore(%arg8 : memref<!tpu.dma_semaphore, #tpu.memory_space<semaphore_mem>>)
      %mul3A_114 = arith.constant 80 : i32
      %mul3A_115 = arith.muli %add3A_90, %mul3A_114 : i32
      %add3A_116 = arith.addi %mul3A_2, %mul3A_115 : i32
      %dma_start3A_117 = arith.constant 0 : i32
      %dma_start3A_118 = tpu.memref_slice %arg4[%add3A_116, %dma_start3A_117] : memref<204800x512xf32, #tpu.memory_space<hbm>> -> memref<80x512xf32, #tpu.memory_space<hbm>>
      %dma_start3A_119 = arith.constant 0 : i32
      %dma_start3A_120 = tpu.memref_slice %arg4[%add3A_116, %dma_start3A_119] : memref<204800x512xf32, #tpu.memory_space<hbm>> -> memref<80x512xf32, #tpu.memory_space<hbm>>
      tpu.enqueue_dma source(%arg6 : memref<80x512xf32, #tpu.memory_space<vmem>>) target(%dma_start3A_120 : memref<80x512xf32, #tpu.memory_space<hbm>>) target_semaphore(%arg9 : memref<!tpu.dma_semaphore, #tpu.memory_space<semaphore_mem>>)
    }
    %scan3A_25 = arith.constant 39 : i32
    %dma_wait3A_26 = arith.constant 6320 : i32
    %dma_wait3A_27 = tpu.memref_slice %arg5[%dma_wait3A_26] : memref<6400xi32, #tpu.memory_space<vmem>> -> memref<80xi32, #tpu.memory_space<vmem>>
    %dma_wait3A_28 = arith.constant 0 : i32
    %dma_wait3A_29 = arith.constant 0 : i32
    %dma_wait3A_30 = tpu.memref_slice %arg2[%dma_wait3A_28, %dma_wait3A_29] : memref<100000x512xf32, #tpu.memory_space<hbm>> -> memref<100000x512xf32, #tpu.memory_space<hbm>>
    tpu.wait_indirect_dma semaphore(%arg8 : memref<!tpu.dma_semaphore, #tpu.memory_space<semaphore_mem>>) src(%dma_wait3A_30 : memref<100000x512xf32, #tpu.memory_space<hbm>>) dst(%arg7 : memref<80x512xf32, #tpu.memory_space<vmem>>)
    %add3A_31 = arith.constant 6240 : i32
    %add3A_32 = arith.addi %mul3A_2, %add3A_31 : i32
    %dma_wait3A_33 = arith.constant 0 : i32
    %dma_wait3A_34 = tpu.memref_slice %arg4[%add3A_32, %dma_wait3A_33] : memref<204800x512xf32, #tpu.memory_space<hbm>> -> memref<80x512xf32, #tpu.memory_space<hbm>>
    %dma_wait3A_35 = arith.constant 0 : i32
    %dma_wait3A_36 = tpu.memref_slice %arg4[%add3A_32, %dma_wait3A_35] : memref<204800x512xf32, #tpu.memory_space<hbm>> -> memref<80x512xf32, #tpu.memory_space<hbm>>
    tpu.wait_dma2 semaphore(%arg9 : memref<!tpu.dma_semaphore, #tpu.memory_space<semaphore_mem>>) src(%arg6 : memref<80x512xf32, #tpu.memory_space<vmem>>) dst(%dma_wait3A_36 : memref<80x512xf32, #tpu.memory_space<hbm>>)
    %add3A_37 = arith.constant 6320 : i32
    %add3A_38 = arith.addi %mul3A_2, %add3A_37 : i32
    %dma_start3A_39 = arith.constant 0 : i32
    %dma_start3A_40 = tpu.memref_slice %arg4[%add3A_38, %dma_start3A_39] : memref<204800x512xf32, #tpu.memory_space<hbm>> -> memref<80x512xf32, #tpu.memory_space<hbm>>
    %dma_start3A_41 = arith.constant 0 : i32
    %dma_start3A_42 = tpu.memref_slice %arg4[%add3A_38, %dma_start3A_41] : memref<204800x512xf32, #tpu.memory_space<hbm>> -> memref<80x512xf32, #tpu.memory_space<hbm>>
    tpu.enqueue_dma source(%arg7 : memref<80x512xf32, #tpu.memory_space<vmem>>) target(%dma_start3A_42 : memref<80x512xf32, #tpu.memory_space<hbm>>) target_semaphore(%arg9 : memref<!tpu.dma_semaphore, #tpu.memory_space<semaphore_mem>>)
    %add3A_43 = arith.constant 6320 : i32
    %add3A_44 = arith.addi %mul3A_2, %add3A_43 : i32
    %dma_wait3A_45 = arith.constant 0 : i32
    %dma_wait3A_46 = tpu.memref_slice %arg4[%add3A_44, %dma_wait3A_45] : memref<204800x512xf32, #tpu.memory_space<hbm>> -> memref<80x512xf32, #tpu.memory_space<hbm>>
    %dma_wait3A_47 = arith.constant 0 : i32
    %dma_wait3A_48 = tpu.memref_slice %arg4[%add3A_44, %dma_wait3A_47] : memref<204800x512xf32, #tpu.memory_space<hbm>> -> memref<80x512xf32, #tpu.memory_space<hbm>>
    tpu.wait_dma2 semaphore(%arg9 : memref<!tpu.dma_semaphore, #tpu.memory_space<semaphore_mem>>) src(%arg7 : memref<80x512xf32, #tpu.memory_space<vmem>>) dst(%dma_wait3A_48 : memref<80x512xf32, #tpu.memory_space<hbm>>)
    return
  }
}

</mosaic_0001>

<sc_bundles>
// kernel: kernel.3.cloned.1.call-start
scs
__scs_entry_jumppad:
0x0: {  	(pc) =	sbr.rel $0x88, $3  }
0x1: {  	(tag) =	ssettag $0x0;
	lr =	simm.s32 $0x1  }
0x2: {  	[smem:$0x3F9F] =	sst lr;
	_ =	strace $0xD0000000  }
0x3: {  	_ = 	snop  }
0x4: {  	_ = 	snop  }
0x5: {  	_ = 	snop  }
0x6: {  	_ = 	snop  }
0x7: {  	_ = 	snop  }
__scs_overlays_trampoline_lowered:
0x8: {  	[smem:$0x3FAE] =	sst s0  }
0x9: {  	[smem:$0x3FAF] =	sst s1  }
0xa: {  	[smem:$0x3FB0] =	sst s2  }
0xb: {  	[smem:$0x3FB1] =	sst s3  }
0xc: {  	[smem:$0x3FB2] =	sst s4  }
0xd: {  	[smem:$0x3FB3] =	sst s5  }
0xe: {  	[smem:$0x3FB4] =	sst s6  }
0xf: {  	[smem:$0x3FB5] =	sst s7  }
0x10: {  	[smem:$0x3FB6] =	sst s8  }
0x11: {  	[smem:$0x3FB7] =	sst s9;
	s0 =	simm.s32 @!p0 $0x0  }
0x12: {  	s1 =	sld [smem:$0x3F9D];
	s0 =	simm.s32 @p0 $0x1  }
0x13: {  	[smem:$0x3FB8] =	sst s0;
	s0 =	simm.s32 @!p1 $0x0  }
0x14: {  	s2 =	sld [smem:$0x3F9C];
	s0 =	simm.s32 @p1 $0x1  }
0x15: {  	[smem:$0x3FB9] =	sst s0;
	s0 =	simm.s32 @!p2 $0x0  }
0x16: {  	s3 =	sld [smem:$0x3FDB];
	s0 =	simm.s32 @p2 $0x1  }
0x17: {  	s4 =	simm.s32 $0x1BF5;
	[smem:$0x3FBB] =	sst s0  }
0x18: {  	s0 =	sld [smem:$0x3F9E];
	_ =	swait.ge [sflag:s4], $0x0  }
0x19: {  	s7 =	sld [smem:$0x3F9F]  }
0x1a: {  	s8 =	sadd.s32 $0xFFFFE003, lr  }
0x1b: {  	s9 =	sadd.s32 $0xFFFFFEF7, lr;
	s5 =	simm.s32 $0xFFFFFFFF;
	p2 =	slt.u32 s8, $0xFFFFF086  }
0x1c: {  	p1 =	slt.u32 s9, $0xF7A;
	s5 =	simm.s32 @!p2 $0x0  }
0x1d: {  	s5 =	simm.s32 @p1 $0x1;
	p0 =	seq.s32 s7, s2  }
0x1e: {  	s7 =	smul.u32 @!p0 $0xF7A, s2;
	p2 =	seq.s32 @!p0 s5, $0x0  }
0x1f: {  	s9 =	smul.u32 $0xF7A, s1;
	s8 =	simm.s32 @!p0 $0x1BF5;
	p2 =	por !p2, p0  }
0x20: {  	[sflag:s8] =	ssyncset.s32 @!p0 $0xFFFFF086;
	s6 =	sadd.s32 @!p0 s3, s7;
	s7 =	simm.s32 @!p0 $0x108  }
0x21: {  	s3 =	sadd.s32 s3, s9;
	s6 =	sadd.s32 @!p0 $0x88, s6;
	s7 =	simm.s32 @p2 $0x1082  }
0x22: {  	[simem:s7], [sflag:s8] =	dma.local @!p0 [hbm:s6], $0xF7A  }
0x23: {  	s9 =	sor.u32 $0xD0000000, s2;
	s6 =	simm.s32 $0x108;
	_ =	swait.ge @!p0 [sflag:s8], $0x0  }
0x24: {  	s3 =	sadd.s32 $0x88, s3;
	s6 =	simm.s32 @!p1 $0x1082;
	[sflag:s4] =	ssyncset.s32 $0xFFFFF086  }
0x25: {  	[simem:s6], [sflag:s4] =	dma.local [hbm:s3], $0xF7A  }
0x26: {  	[smem:$0x3F9F] =	sst s1;
	(tag) =	ssettag s2;
	_ =	strace s9  }
0x27: {  	s1 =	sld [smem:$0x3FAF]  }
0x28: {  	s2 =	sld [smem:$0x3FB0]  }
0x29: {  	s4 =	sld [smem:$0x3FB2]  }
0x2a: {  	p0 =	seq.s32 s5, $0x0;
	s5 =	sld [smem:$0x3FB3]  }
0x2b: {  	s6 =	sld [smem:$0x3FB4]  }
0x2c: {  	s7 =	sld [smem:$0x3FB5]  }
0x2d: {  	s3 =	simm.s32 $0x108;
	s8 =	sld [smem:$0x3FB6]  }
0x2e: {  	s3 =	simm.s32 @!p0 $0x1082;
	s9 =	sld [smem:$0x3FB7]  }
0x2f: {  	lr =	sadd.s32 s0, s3;
	s0 =	sld [smem:$0x3FAE]  }
0x30: {  	s3 =	sld [smem:$0x3FB1]  }
0x31: {  	[smem:$0x3FBA] =	sst s10  }
0x32: {  	s10 =	sld [smem:$0x3FB8];
	_ =	sdelay $0x3  }
0x33: {  	p0 =	seq.s32 s10, $0x1;
	s10 =	sld [smem:$0x3FBA];
	_ =	sdelay $0x3  }
0x34: {  	[smem:$0x3FBA] =	sst s10  }
0x35: {  	s10 =	sld [smem:$0x3FB9];
	_ =	sdelay $0x3  }
0x36: {  	p1 =	seq.s32 s10, $0x1;
	s10 =	sld [smem:$0x3FBA];
	_ =	sdelay $0x3  }
0x37: {  	[smem:$0x3FBA] =	sst s10  }
0x38: {  	s10 =	sld [smem:$0x3FBB]  }
0x39: {  	_ = 	snop;
	(pc) =	sbr.ind lr, $3  }
0x3a: {  	_ = 	snop  }
0x3b: {  	_ = 	snop  }
0x3c: {  	p2 =	seq.s32 s10, $0x1;
	s10 =	sld [smem:$0x3FBA]  }
0x3d: {  	_ =	shalt  }
0x3e: {  	_ =	shalt  }
0x3f: {  	_ =	shalt  }
0x40: {  	_ =	shalt  }
0x41: {  	_ =	shalt  }
0x42: {  	_ =	shalt  }
0x43: {  	_ =	shalt  }
0x44: {  	_ =	shalt  }
0x45: {  	_ =	shalt  }
0x46: {  	_ =	shalt  }
0x47: {  	_ =	shalt  }
0x48: {  	_ =	shalt  }
0x49: {  	_ =	shalt  }
0x4a: {  	_ =	shalt  }
0x4b: {  	_ =	shalt  }
0x4c: {  	_ =	shalt  }
0x4d: {  	_ =	shalt  }
0x4e: {  	_ =	shalt  }
0x4f: {  	_ =	shalt  }
0x50: {  	_ =	shalt  }
0x51: {  	_ =	shalt  }
0x52: {  	_ =	shalt  }
0x53: {  	_ =	shalt  }
0x54: {  	_ =	shalt  }
0x55: {  	_ =	shalt  }
0x56: {  	_ =	shalt  }
0x57: {  	_ =	shalt  }
0x58: {  	_ =	shalt  }
0x59: {  	_ =	shalt  }
0x5a: {  	_ =	shalt  }
0x5b: {  	_ =	shalt  }
0x5c: {  	_ =	shalt  }
0x5d: {  	_ =	shalt  }
0x5e: {  	_ =	shalt  }
0x5f: {  	_ =	shalt  }
0x60: {  	_ =	shalt  }
0x61: {  	_ =	shalt  }
0x62: {  	_ =	shalt  }
0x63: {  	_ =	shalt  }
0x64: {  	_ =	shalt  }
0x65: {  	_ =	shalt  }
0x66: {  	_ =	shalt  }
0x67: {  	_ =	shalt  }
0x68: {  	_ =	shalt  }
0x69: {  	_ =	shalt  }
0x6a: {  	_ =	shalt  }
0x6b: {  	_ =	shalt  }
0x6c: {  	_ =	shalt  }
0x6d: {  	_ =	shalt  }
0x6e: {  	_ =	shalt  }
0x6f: {  	_ =	shalt  }
0x70: {  	_ =	shalt  }
0x71: {  	_ =	shalt  }
0x72: {  	_ =	shalt  }
0x73: {  	_ =	shalt  }
0x74: {  	_ =	shalt  }
0x75: {  	_ =	shalt  }
0x76: {  	_ =	shalt  }
0x77: {  	_ =	shalt  }
0x78: {  	_ =	shalt  }
0x79: {  	_ =	shalt  }
0x7a: {  	_ =	shalt  }
0x7b: {  	_ =	shalt  }
0x7c: {  	_ =	shalt  }
0x7d: {  	_ =	shalt  }
0x7e: {  	_ =	shalt  }
0x7f: {  	_ =	shalt  }
0x80: {  	_ =	shalt  }
0x81: {  	_ =	shalt  }
0x82: {  	_ =	shalt  }
0x83: {  	_ =	shalt  }
0x84: {  	_ =	shalt  }
0x85: {  	_ =	shalt  }
0x86: {  	_ =	shalt  }
0x87: {  	_ =	shalt  }
.Lfunc_end0:
.L_simem_size_0:
called_computation_lowered:
.L_overlay_start_0:
0x88: {  	s2 =	sld [smem:$0x3FD9]  }
0x89: {  	s3 =	sld [smem:$0x3FFE];
	_ =	sdelay $0x1  }
0x8a: {  	s1 =	srdreg.scid  }
0x8b: {  	s0 =	sand.u32 $0x1, s1  }
0x8c: {  	s17 =	sshll.u32 s0, $0xA;
	s2 =	sadd.s32 s3, s2  }
0x8d: {  	s2 =	sadd.s32 s2, s17  }
0x8e: {  	[smem:$0x3FC6] =	sst s2  }
0x8f: {  	_ = 	snop  }
0x90: {  	s2 =	sld [smem:$0x3FC8]  }
0x91: {  	s18 =	sld [smem:$0x3FD0];
	(tm) =	ssettm $0x1  }
0x92: {  	s4 =	sld [smem:$0x3FFB];
	_ =	sdelay $0x3  }
0x93: {  	_ =	strace s4  }
0x94: {  	s4 =	sld [smem:$0x3FFC];
	_ =	sdelay $0x3  }
0x95: {  	_ =	strace s4  }
0x96: {  	s4 =	sld [smem:$0x3FFD];
	_ =	sdelay $0x3  }
0x97: {  	_ =	strace s4  }
0x98: {  	_ =	strace $0x8FFFFFFF  }
0x99: {  	s19 =	sld [smem:$0x3FDB];
	_ =	sdelay $0x1  }
0x9a: {  	s5 =	simm.s32 $_scs_section_size  }
0x9b: {  	s6 =	simm.s32 $_size__tile_overlayer_lowered;
	s7 =	simm.s32 $_tile_overlayer_lowered  }
0x9c: {  	s22 =	simm.s32 $0x1BFF;
	s21 =	sshll.u32 s7, $0x1;
	s4 =	sadd.s32 s5, s19  }
0x9d: {  	s8 =	simm.s32 $0x0;
	s20 =	sshll.u32 s6, $0x1;
	s6 =	sadd.s32 s21, s4  }
0x9e: {  	[timem:s8], [sflag:s22] =	dma.local [hbm:s6], s20  }
0x9f: {  	_ =	swait.ge [sflag:s22], s20  }
0xa0: {  	s5 =	ssub.s32 $0x0, s20;
	[sflag:s22] =	ssyncset.done $0x0  }
0xa1: {  	[sflag:s22] =	ssyncadd.s32 s5;
	_ =	sdelay $0x1  }
0xa2: {  	s23 =	simm.s32 $0x1B8B  }
0xa3: {  	_ =	swait.ge [sflag:s23], $0x1  }
0xa4: {  	[sflag:s23] =	ssyncset.done $0x0  }
0xa5: {  	s25 =	simm.s32 $0x1B8E;
	s24 =	sld [smem:$0x3FFE];
	[sflag:s23] =	ssyncadd.s32 $0xFFFFFFFF  }
0xa6: {  	s26 =	simm.s32 $execute0_lowered;
	[smem:$0x3FD2] =	sst s25  }
0xa7: {  	s6 =	sshll.u32 s26, $0x1;
	_ =	strace $0x80000046;
	[dreg:$0x1] =	wrdreg $0xFFFFFFFF  }
0xa8: {  	s28 =	simm.s32 $_size_execute0_lowered;
	s4 =	sadd.s32 s4, s6;
	[dreg:$0x0] =	wrdreg $0x0  }
0xa9: {  	s6 =	sshll.u32 s28, $0x1;
	[dreg:$0x2] =	wrdreg s4  }
0xaa: {  	[dreg:$0x3] =	wrdreg s6  }
0xab: {  	[dreg:$0x4] =	wrdreg $0xC0  }
0xac: {  	_ =	task [dreg:s8], $0x5FFFF  }
0xad: {  	[dreg:$0x1] =	wrdreg $0xFFFFFFFF  }
0xae: {  	[dreg:$0x0] =	wrdreg $0x60  }
0xaf: {  	[dreg:$0x2] =	wrdreg s2  }
0xb0: {  	[dreg:$0x3] =	wrdreg s24  }
0xb1: {  	[dreg:$0x4] =	wrdreg s18  }
0xb2: {  	[dreg:$0x5] =	wrdreg $0x9  }
0xb3: {  	_ =	task.clear_ibuf [dreg:s8], $0x6FFFF;
	_ =	strace $0x90000046  }
0xb4: {  	s29 =	simm.s32 $0x9;
	_ =	strace $0x80000048  }
0xb5: {  	_ =	swait.ge [sflag:s29], $0x1  }
0xb6: {  	[sflag:s29] =	ssyncadd.s32 $0xFFFFFFFF  }
0xb7: {  	_ =	strace $0x90000048  }
0xb8: {  	_ =	sfence  }
0xb9: {  	s30 =	sld [smem:$0x0];
	_ =	sdelay $0x2  }
0xba: {  	s31 =	sshll.u32 s1, $0xD;
	s1 =	sshrl.u32 s1, $0x2  }
0xbb: {  	s3 =	sand.u32 $0x4000, s31;
	s1 =	sadd.s32 s1, s30  }
0xbc: {  	s0 =	sor.u32 s3, s0;
	s1 =	sshll.u32 s1, $0x11  }
0xbd: {  	s0 =	sor.u32 s1, s0  }
0xbe: {  	s0 =	sadd.s32 $0x8F2B, s0  }
0xbf: {  	[sflag:s0] =	ssyncadd.remote.s32 $0x1  }
0xc0: {  	_ =	sfence.sel $0xFFFF  }
0xc1: {  	[dreg:$0x0] =	wrdreg $0xFFFFFFFF;
	(pc) =	sbr.abs _section_cstart, $3  }
0xc2: {  	[dreg:$0x1] =	wrdreg $0xFFFFFFFF  }
0xc3: {  	_ =	task.clear_ibuf [dreg:s8], $0x2FFFF;
	_ =	strace $0x9FFFFFFF  }
0xc4: {  	(tm) =	ssettm $0x7FFFFFFF  }
0xc5: {  	_ =	shalt  }
tec
execute0_lowered:
.L_overlay_start_1:
0x0: {  	(tag) =	ssettag $0x1  }
0x1: {  	s1 =	rddreg [dreg:$0x0]  }
0x2: {  	s0 =	rddreg [dreg:$0x1]  }
0x3: {  	s2 =	srdreg.scid;
	s10 =	stileid.u32  }
0x4: {  	s4 =	rddreg [dreg:$0x2];
	s3 =	simm.s32 $0x0;
	s30 =	simm.s32 $0x1900  }
0x5: {  	s28 =	simm.s32 $0x2100;
	s29 =	simm.s32 $0x2900;
	s11 =	simm.s32 $0x6900  }
0x6: {  	s12 =	simm.s32 $0x7100;
	s13 =	simm.s32 $0x7900;
	s14 =	simm.s32 $0x8100  }
0x7: {  	s15 =	simm.s32 $0x8900;
	s16 =	simm.s32 $0x9100;
	s17 =	simm.s32 $0x9900  }
0x8: {  	s18 =	simm.s32 $0xA100;
	s19 =	simm.s32 $0xA900;
	s20 =	simm.s32 $0xB100  }
0x9: {  	s2 =	sand.u32 $0x1, s2;
	s5 =	sshll.u32 s10, $0x1;
	s23 =	smul.u32 $0xC8000, s10  }
0xa: {  	s5 =	sor.u32 s2, s5;
	s7 =	ssub.s32 $0x2, s2;
	s2 =	smul.u32 $0x64000, s2  }
0xb: {  	s31 =	simm.s32 $0x1;
	s21 =	simm.s32 $0xC100;
	s6 =	smul.u32 $0x1900, s5  }
0xc: {  	[smem:$0x7FF] =	sst s3;
	s10 =	simm.s32 $0xD900;
	s9 =	smul.u32 $0x320000, s5  }
0xd: {  	_ =	strace $0x80000047;
	s8 =	smul.u32 $0x64000, s5;
	s22 =	sshrl.u32 s7, $0x1  }
0xe: {  	s5 =	sadd.s32 $0x100, s1;
	s6 =	sshrl.u32 s6, $0x3;
	s24 =	sshrl.u32 s9, $0x3  }
0xf: {  	s8 =	sadd.s32 s4, s8;
	s9 =	simm.s32 $0x6100;
	s0 =	sadd.s32 s6, s0  }
0x10: {  	s6 =	ssub.s32 s7, s22;
	[dreg:$0x6] =	wrdreg s8;
	s7 =	sadd.s32 s4, s24  }
0x11: {  	s8 =	simm.s32 $0x5900;
	s22 =	simm.s32 $0xC900;
	s0 =	sadd.s32 $0x400, s0  }
0x12: {  	s24 =	simm.s32 $0x2;
	s25 =	sadd.s32 $0x62C00, s7;
	[dreg:$0x5] =	wrdreg s0  }
0x13: {  	s26 =	smax.u32 s6, $0x1;
	s6 =	simm.s32 $0x4900;
	[dreg:$0x7] =	wrdreg s25  }
0x14: {  	s7 =	simm.s32 $0x5100;
	s0 =	sadd.s32 s23, s4;
	[dreg:$0x8] =	wrdreg s26  }
0x15: {  	v2 =	vlaneseq.u32;
	s26 =	simm.s32 $0x3100;
	s4 =	simm.s32 $0x4100;
	s25 =	simm.s32 $0x0  }
0x16: {  	vm0 =	vmmov $0xffff;
	v1 =	vshrl.u32 v2, $0x3;
	s23 =	simm.s32 $0xD100;
	s0 =	sadd.s32 s2, s0;
	[dreg:$0x9] =	wrdreg s25  }
0x17: {  	v0 =	vand.u32 $0x7, v2;
	v2 =	vor.u32 $0x8, v2;
	v1 =	vmul.u32 $0x8, v1;
	s2 =	simm.s32 $0x3900;
	[dreg:$0x4] =	wrdreg s0;
	s0 =	simm.s32 $0xB900  }
.LBB2_1:
0x18: {  	s25 =	rddreg [dreg:$0x5]  }
0x19: {  	[tilespmem:s3], [sflag:$0x3] =	stream.linear.gather [hbm4b:s25+s3], $0x1900, $0x38;
	[tilespmem:$0x15900] =	vst v63  }
0x1a: {  	s25 =	simm.s32 $0x3  }
0x1b: {  	_ =	swait.ge [sflag:s25], $0x1900  }
0x1c: {  	[sflag:s25] =	ssyncset.done $0x0  }
0x1d: {  	[sflag:s25] =	ssyncadd.s32 $0xFFFFE700  }
0x1e: {  	v3 =	vld [tilespmem:$0x0];
	_ =	sdelay $0x4  }
0x1f: {  	v4 =	vshll.u32 v3, $0x2  }
0x20: {  	v3 =	vand.u32 $0x7, v3;
	v4 =	vand.u32 $0xFFFFFFE0, v4  }
0x21: {  	v3 =	vor.u32 v3, v4  }
0x22: {  	v4 =	vperm.xlane v3, v0;
	_ =	sdelay $0x1  }
0x23: {  	v4 =	vadd.s32 v1, v4;
	_ =	sdelay $0x1  }
0x24: {  	v3 =	vperm.xlane v3, v2;
	_ =	sdelay $0x1  }
0x25: {  	v3 =	vadd.s32 v1, v3  }
0x26: {  	[tilespmem:s30], [sflag:$0x1] =	stream.indirect_vreg.gather [hbm4b:s1+s3], $0x80, v4, vm0, $0xb8;
	[tilespmem:$0x15900] =	vst v63  }
0x27: {  	_ = 	snop  }
0x28: {  	[tilespmem:s28], [sflag:$0x1] =	stream.indirect_vreg.gather [hbm4b:s5+s3], $0x80, v4, vm0, $0xb8;
	[tilespmem:$0x15900] =	vst v63  }
0x29: {  	_ = 	snop  }
0x2a: {  	[tilespmem:s29], [sflag:$0x1] =	stream.indirect_vreg.gather [hbm4b:s1+s3], $0x80, v3, vm0, $0xb8;
	[tilespmem:$0x15900] =	vst v63  }
0x2b: {  	_ = 	snop  }
0x2c: {  	[tilespmem:s26], [sflag:$0x1] =	stream.indirect_vreg.gather [hbm4b:s5+s3], $0x80, v3, vm0, $0xb8;
	[tilespmem:$0x15900] =	vst v63  }
0x2d: {  	v3 =	vld [tilespmem:$0x10];
	_ =	sdelay $0x4  }
0x2e: {  	v55 =	vshll.u32 v3, $0x2  }
0x2f: {  	v3 =	vand.u32 $0x7, v3;
	v4 =	vand.u32 $0xFFFFFFE0, v55  }
0x30: {  	v3 =	vor.u32 v3, v4  }
0x31: {  	v4 =	vperm.xlane v3, v0;
	_ =	sdelay $0x1  }
0x32: {  	v4 =	vadd.s32 v1, v4;
	_ =	sdelay $0x1  }
0x33: {  	v3 =	vperm.xlane v3, v2;
	_ =	sdelay $0x1  }
0x34: {  	v3 =	vadd.s32 v1, v3  }
0x35: {  	[tilespmem:s2], [sflag:$0x1] =	stream.indirect_vreg.gather [hbm4b:s1+s3], $0x80, v4, vm0, $0xb8;
	[tilespmem:$0x15900] =	vst v63  }
0x36: {  	_ = 	snop  }
0x37: {  	[tilespmem:s4], [sflag:$0x1] =	stream.indirect_vreg.gather [hbm4b:s5+s3], $0x80, v4, vm0, $0xb8;
	[tilespmem:$0x15900] =	vst v63  }
0x38: {  	_ = 	snop  }
0x39: {  	[tilespmem:s6], [sflag:$0x1] =	stream.indirect_vreg.gather [hbm4b:s1+s3], $0x80, v3, vm0, $0xb8;
	[tilespmem:$0x15900] =	vst v63  }
0x3a: {  	_ = 	snop  }
0x3b: {  	[tilespmem:s7], [sflag:$0x1] =	stream.indirect_vreg.gather [hbm4b:s5+s3], $0x80, v3, vm0, $0xb8;
	[tilespmem:$0x15900] =	vst v63  }
0x3c: {  	v3 =	vld [tilespmem:$0x20];
	_ =	sdelay $0x4  }
0x3d: {  	v56 =	vshll.u32 v3, $0x2  }
0x3e: {  	v3 =	vand.u32 $0x7, v3;
	v4 =	vand.u32 $0xFFFFFFE0, v56  }
0x3f: {  	v3 =	vor.u32 v3, v4  }
0x40: {  	v4 =	vperm.xlane v3, v0;
	_ =	sdelay $0x1  }
0x41: {  	v4 =	vadd.s32 v1, v4;
	_ =	sdelay $0x1  }
0x42: {  	v3 =	vperm.xlane v3, v2;
	_ =	sdelay $0x1  }
0x43: {  	v3 =	vadd.s32 v1, v3  }
0x44: {  	[tilespmem:s8], [sflag:$0x1] =	stream.indirect_vreg.gather [hbm4b:s1+s3], $0x80, v4, vm0, $0xb8;
	[tilespmem:$0x15900] =	vst v63  }
0x45: {  	_ = 	snop  }
0x46: {  	[tilespmem:s9], [sflag:$0x1] =	stream.indirect_vreg.gather [hbm4b:s5+s3], $0x80, v4, vm0, $0xb8;
	[tilespmem:$0x15900] =	vst v63  }
0x47: {  	_ = 	snop  }
0x48: {  	[tilespmem:s11], [sflag:$0x1] =	stream.indirect_vreg.gather [hbm4b:s1+s3], $0x80, v3, vm0, $0xb8;
	[tilespmem:$0x15900] =	vst v63  }
0x49: {  	_ = 	snop  }
0x4a: {  	[tilespmem:s12], [sflag:$0x1] =	stream.indirect_vreg.gather [hbm4b:s5+s3], $0x80, v3, vm0, $0xb8;
	[tilespmem:$0x15900] =	vst v63  }
0x4b: {  	v3 =	vld [tilespmem:$0x30];
	_ =	sdelay $0x4  }
0x4c: {  	v57 =	vshll.u32 v3, $0x2  }
0x4d: {  	v3 =	vand.u32 $0x7, v3;
	v4 =	vand.u32 $0xFFFFFFE0, v57  }
0x4e: {  	v3 =	vor.u32 v3, v4  }
0x4f: {  	v4 =	vperm.xlane v3, v0;
	_ =	sdelay $0x1  }
0x50: {  	v4 =	vadd.s32 v1, v4;
	_ =	sdelay $0x1  }
0x51: {  	v3 =	vperm.xlane v3, v2;
	_ =	sdelay $0x1  }
0x52: {  	v3 =	vadd.s32 v1, v3  }
0x53: {  	[tilespmem:s13], [sflag:$0x1] =	stream.indirect_vreg.gather [hbm4b:s1+s3], $0x80, v4, vm0, $0xb8;
	[tilespmem:$0x15900] =	vst v63  }
0x54: {  	_ = 	snop  }
0x55: {  	[tilespmem:s14], [sflag:$0x1] =	stream.indirect_vreg.gather [hbm4b:s5+s3], $0x80, v4, vm0, $0xb8;
	[tilespmem:$0x15900] =	vst v63  }
0x56: {  	_ = 	snop  }
0x57: {  	[tilespmem:s15], [sflag:$0x1] =	stream.indirect_vreg.gather [hbm4b:s1+s3], $0x80, v3, vm0, $0xb8;
	[tilespmem:$0x15900] =	vst v63  }
0x58: {  	_ = 	snop  }
0x59: {  	[tilespmem:s16], [sflag:$0x1] =	stream.indirect_vreg.gather [hbm4b:s5+s3], $0x80, v3, vm0, $0xb8;
	[tilespmem:$0x15900] =	vst v63  }
0x5a: {  	v3 =	vld [tilespmem:$0x40];
	_ =	sdelay $0x4  }
0x5b: {  	v58 =	vshll.u32 v3, $0x2  }
0x5c: {  	v3 =	vand.u32 $0x7, v3;
	v4 =	vand.u32 $0xFFFFFFE0, v58  }
0x5d: {  	v3 =	vor.u32 v3, v4  }
0x5e: {  	v4 =	vperm.xlane v3, v0;
	_ =	sdelay $0x1  }
0x5f: {  	v4 =	vadd.s32 v1, v4;
	_ =	sdelay $0x1  }
0x60: {  	v3 =	vperm.xlane v3, v2;
	_ =	sdelay $0x1  }
0x61: {  	v3 =	vadd.s32 v1, v3  }
0x62: {  	[tilespmem:s17], [sflag:$0x1] =	stream.indirect_vreg.gather [hbm4b:s1+s3], $0x80, v4, vm0, $0xb8;
	[tilespmem:$0x15900] =	vst v63  }
0x63: {  	_ = 	snop  }
0x64: {  	[tilespmem:s18], [sflag:$0x1] =	stream.indirect_vreg.gather [hbm4b:s5+s3], $0x80, v4, vm0, $0xb8;
	[tilespmem:$0x15900] =	vst v63  }
0x65: {  	_ = 	snop  }
0x66: {  	[tilespmem:s19], [sflag:$0x1] =	stream.indirect_vreg.gather [hbm4b:s1+s3], $0x80, v3, vm0, $0xb8;
	[tilespmem:$0x15900] =	vst v63  }
0x67: {  	_ = 	snop  }
0x68: {  	[tilespmem:s20], [sflag:$0x1] =	stream.indirect_vreg.gather [hbm4b:s5+s3], $0x80, v3, vm0, $0xb8;
	[tilespmem:$0x15900] =	vst v63  }
0x69: {  	_ =	swait.ge [sflag:s31], $0xA000  }
0x6a: {  	[sflag:s31] =	ssyncset.done $0x0  }
0x6b: {  	[sflag:s31] =	ssyncadd.s32 $0xFFFF6000  }
0x6c: {  	v3 =	vld [tilespmem:$0x50];
	_ =	sdelay $0x4  }
0x6d: {  	v59 =	vshll.u32 v3, $0x2  }
0x6e: {  	v3 =	vand.u32 $0x7, v3;
	v4 =	vand.u32 $0xFFFFFFE0, v59  }
0x6f: {  	v3 =	vor.u32 v3, v4  }
0x70: {  	v4 =	vperm.xlane v3, v0;
	_ =	sdelay $0x1  }
0x71: {  	v4 =	vadd.s32 v1, v4;
	_ =	sdelay $0x1  }
0x72: {  	v3 =	vperm.xlane v3, v2;
	_ =	sdelay $0x1  }
0x73: {  	v3 =	vadd.s32 v1, v3  }
0x74: {  	[tilespmem:s0], [sflag:$0x1] =	stream.indirect_vreg.gather [hbm4b:s1+s3], $0x80, v4, vm0, $0xb8;
	[tilespmem:$0x15900] =	vst v63  }
0x75: {  	_ = 	snop  }
0x76: {  	[tilespmem:s21], [sflag:$0x1] =	stream.indirect_vreg.gather [hbm4b:s5+s3], $0x80, v4, vm0, $0xb8;
	[tilespmem:$0x15900] =	vst v63  }
0x77: {  	_ = 	snop  }
0x78: {  	[tilespmem:s22], [sflag:$0x1] =	stream.indirect_vreg.gather [hbm4b:s1+s3], $0x80, v3, vm0, $0xb8;
	[tilespmem:$0x15900] =	vst v63  }
0x79: {  	_ = 	snop  }
0x7a: {  	[tilespmem:s23], [sflag:$0x1] =	stream.indirect_vreg.gather [hbm4b:s5+s3], $0x80, v3, vm0, $0xb8;
	[tilespmem:$0x15900] =	vst v63  }
0x7b: {  	v3 =	vld [tilespmem:$0x60];
	_ =	sdelay $0x4  }
0x7c: {  	v60 =	vshll.u32 v3, $0x2  }
0x7d: {  	v3 =	vand.u32 $0x7, v3;
	v4 =	vand.u32 $0xFFFFFFE0, v60  }
0x7e: {  	v3 =	vor.u32 v3, v4  }
0x7f: {  	v4 =	vperm.xlane v3, v0;
	_ =	sdelay $0x1  }
0x80: {  	v4 =	vadd.s32 v1, v4;
	_ =	sdelay $0x1  }
0x81: {  	v3 =	vperm.xlane v3, v2;
	_ =	sdelay $0x1  }
0x82: {  	v3 =	vadd.s32 v1, v3  }
0x83: {  	[tilespmem:s10], [sflag:$0x1] =	stream.indirect_vreg.gather [hbm4b:s1+s3], $0x80, v4, vm0, $0xb8;
	[tilespmem:$0x15900] =	vst v63  }
0x84: {  	s12 =	simm.s32 $0xE100  }
0x85: {  	[tilespmem:s12], [sflag:$0x1] =	stream.indirect_vreg.gather [hbm4b:s5+s3], $0x80, v4, vm0, $0xb8;
	[tilespmem:$0x15900] =	vst v63  }
0x86: {  	s13 =	simm.s32 $0xE900  }
0x87: {  	[tilespmem:s13], [sflag:$0x1] =	stream.indirect_vreg.gather [hbm4b:s1+s3], $0x80, v3, vm0, $0xb8;
	[tilespmem:$0x15900] =	vst v63  }
0x88: {  	s14 =	simm.s32 $0xF100  }
0x89: {  	[tilespmem:s14], [sflag:$0x1] =	stream.indirect_vreg.gather [hbm4b:s5+s3], $0x80, v3, vm0, $0xb8;
	[tilespmem:$0x15900] =	vst v63  }
0x8a: {  	v3 =	vld [tilespmem:$0x70];
	_ =	sdelay $0x4  }
0x8b: {  	v61 =	vshll.u32 v3, $0x2  }
0x8c: {  	v3 =	vand.u32 $0x7, v3;
	v4 =	vand.u32 $0xFFFFFFE0, v61  }
0x8d: {  	v3 =	vor.u32 v3, v4  }
0x8e: {  	v4 =	vperm.xlane v3, v0;
	_ =	sdelay $0x1  }
0x8f: {  	v4 =	vadd.s32 v1, v4;
	_ =	sdelay $0x1  }
0x90: {  	v3 =	vperm.xlane v3, v2;
	_ =	sdelay $0x1  }
0x91: {  	s15 =	simm.s32 $0xF900;
	v3 =	vadd.s32 v1, v3  }
0x92: {  	[tilespmem:s15], [sflag:$0x1] =	stream.indirect_vreg.gather [hbm4b:s1+s3], $0x80, v4, vm0, $0xb8;
	[tilespmem:$0x15900] =	vst v63  }
0x93: {  	s16 =	simm.s32 $0x10100  }
0x94: {  	[tilespmem:s16], [sflag:$0x1] =	stream.indirect_vreg.gather [hbm4b:s5+s3], $0x80, v4, vm0, $0xb8;
	[tilespmem:$0x15900] =	vst v63  }
0x95: {  	s17 =	simm.s32 $0x10900  }
0x96: {  	[tilespmem:s17], [sflag:$0x1] =	stream.indirect_vreg.gather [hbm4b:s1+s3], $0x80, v3, vm0, $0xb8;
	[tilespmem:$0x15900] =	vst v63  }
0x97: {  	s18 =	simm.s32 $0x11100  }
0x98: {  	[tilespmem:s18], [sflag:$0x1] =	stream.indirect_vreg.gather [hbm4b:s5+s3], $0x80, v3, vm0, $0xb8;
	[tilespmem:$0x15900] =	vst v63  }
0x99: {  	v3 =	vld [tilespmem:$0x80];
	_ =	sdelay $0x4  }
0x9a: {  	v62 =	vshll.u32 v3, $0x2  }
0x9b: {  	v3 =	vand.u32 $0x7, v3;
	v4 =	vand.u32 $0xFFFFFFE0, v62  }
0x9c: {  	v3 =	vor.u32 v3, v4  }
0x9d: {  	v4 =	vperm.xlane v3, v0;
	_ =	sdelay $0x1  }
0x9e: {  	v4 =	vadd.s32 v1, v4;
	_ =	sdelay $0x1  }
0x9f: {  	v3 =	vperm.xlane v3, v2;
	_ =	sdelay $0x1  }
0xa0: {  	s19 =	simm.s32 $0x11900;
	v3 =	vadd.s32 v1, v3  }
0xa1: {  	[tilespmem:s19], [sflag:$0x1] =	stream.indirect_vreg.gather [hbm4b:s1+s3], $0x80, v4, vm0, $0xb8;
	[tilespmem:$0x15900] =	vst v63  }
0xa2: {  	s20 =	simm.s32 $0x12100  }
0xa3: {  	[tilespmem:s20], [sflag:$0x1] =	stream.indirect_vreg.gather [hbm4b:s5+s3], $0x80, v4, vm0, $0xb8;
	[tilespmem:$0x15900] =	vst v63  }
0xa4: {  	s21 =	simm.s32 $0x12900  }
0xa5: {  	[tilespmem:s21], [sflag:$0x1] =	stream.indirect_vreg.gather [hbm4b:s1+s3], $0x80, v3, vm0, $0xb8;
	[tilespmem:$0x15900] =	vst v63  }
0xa6: {  	s22 =	simm.s32 $0x13100  }
0xa7: {  	[tilespmem:s22], [sflag:$0x1] =	stream.indirect_vreg.gather [hbm4b:s5+s3], $0x80, v3, vm0, $0xb8;
	[tilespmem:$0x15900] =	vst v63  }
0xa8: {  	v3 =	vld [tilespmem:$0x90];
	_ =	sdelay $0x4  }
0xa9: {  	v63 =	vshll.u32 v3, $0x2  }
0xaa: {  	v3 =	vand.u32 $0x7, v3;
	v4 =	vand.u32 $0xFFFFFFE0, v63  }
0xab: {  	v3 =	vor.u32 v3, v4  }
0xac: {  	v4 =	vperm.xlane v3, v0;
	_ =	sdelay $0x1  }
0xad: {  	v4 =	vadd.s32 v1, v4  }
0xae: {  	s25 =	simm.s32 $0x14100  }
0xaf: {  	s2 =	simm.s32 $0x1900;
	s4 =	simm.s32 $0x14900;
	s6 =	simm.s32 $0x15100;
	v3 =	vperm.xlane v3, v2  }
0xb0: {  	s7 =	simm.s32 $0x5100;
	s8 =	simm.s32 $0x5900;
	s9 =	simm.s32 $0x6100  }
0xb1: {  	s11 =	simm.s32 $0x6900;
	s26 =	rddreg [dreg:$0x6];
	s23 =	simm.s32 $0x13900;
	v3 =	vadd.s32 v1, v3  }
0xb2: {  	[tilespmem:s23], [sflag:$0x1] =	stream.indirect_vreg.gather [hbm4b:s1+s3], $0x80, v4, vm0, $0xb8;
	[tilespmem:$0x15900] =	vst v63  }
0xb3: {  	s10 =	simm.s32 $0xD900;
	s12 =	simm.s32 $0x7100;
	s13 =	simm.s32 $0x7900  }
0xb4: {  	[tilespmem:s25], [sflag:$0x1] =	stream.indirect_vreg.gather [hbm4b:s5+s3], $0x80, v4, vm0, $0xb8;
	[tilespmem:$0x15900] =	vst v63  }
0xb5: {  	s14 =	simm.s32 $0x8100;
	s15 =	simm.s32 $0x8900;
	s16 =	simm.s32 $0x9100  }
0xb6: {  	[tilespmem:s4], [sflag:$0x1] =	stream.indirect_vreg.gather [hbm4b:s1+s3], $0x80, v3, vm0, $0xb8;
	[tilespmem:$0x15900] =	vst v63  }
0xb7: {  	s17 =	simm.s32 $0x9900;
	s18 =	simm.s32 $0xA100;
	s19 =	simm.s32 $0xA900  }
0xb8: {  	[tilespmem:s6], [sflag:$0x1] =	stream.indirect_vreg.gather [hbm4b:s5+s3], $0x80, v3, vm0, $0xb8;
	[tilespmem:$0x15900] =	vst v63  }
0xb9: {  	s20 =	simm.s32 $0xB100;
	s21 =	simm.s32 $0xC100;
	s22 =	simm.s32 $0xC900  }
0xba: {  	[hbm4b:s26+s3] =	stream.linear.scatter [tilespmem:s30], [sflag:$0x2], $0xA000, $0x38;
	[tilespmem:$0x15900] =	vst v63  }
0xbb: {  	s23 =	simm.s32 $0xD100;
	s25 =	simm.s32 $0xFFF9E800;
	s26 =	simm.s32 $0x130  }
.LBB2_2:
0xbc: {  	_ =	swait.ge [sflag:s31], $0xA000  }
0xbd: {  	[sflag:s31] =	ssyncset.done $0x0  }
0xbe: {  	[sflag:s31] =	ssyncadd.s32 $0xFFFF6000  }
0xbf: {  	_ =	swait.ge [sflag:s24], $0xA000  }
0xc0: {  	[sflag:s24] =	ssyncset.done $0x0  }
0xc1: {  	[sflag:s24] =	ssyncadd.s32 $0xFFFF6000  }
0xc2: {  	v3 =	vld [tilespmem:s26+$0xFFFFFF70];
	_ =	sdelay $0x4  }
0xc3: {  	v4 =	vshll.u32 v3, $0x2  }
0xc4: {  	v3 =	vand.u32 $0x7, v3;
	v4 =	vand.u32 $0xFFFFFFE0, v4  }
0xc5: {  	v3 =	vor.u32 v3, v4  }
0xc6: {  	v4 =	vperm.xlane v3, v0;
	_ =	sdelay $0x1  }
0xc7: {  	v4 =	vadd.s32 v1, v4;
	_ =	sdelay $0x1  }
0xc8: {  	v3 =	vperm.xlane v3, v2;
	_ =	sdelay $0x1  }
0xc9: {  	v3 =	vadd.s32 v1, v3  }
0xca: {  	[tilespmem:s2], [sflag:$0x1] =	stream.indirect_vreg.gather [hbm4b:s1+s3], $0x80, v4, vm0, $0xb8;
	[tilespmem:$0x15900] =	vst v63  }
0xcb: {  	_ = 	snop  }
0xcc: {  	[tilespmem:s28], [sflag:$0x1] =	stream.indirect_vreg.gather [hbm4b:s5+s3], $0x80, v4, vm0, $0xb8;
	[tilespmem:$0x15900] =	vst v63  }
0xcd: {  	_ = 	snop  }
0xce: {  	[tilespmem:s29], [sflag:$0x1] =	stream.indirect_vreg.gather [hbm4b:s1+s3], $0x80, v3, vm0, $0xb8;
	[tilespmem:$0x15900] =	vst v63  }
0xcf: {  	s0 =	simm.s32 $0x3100  }
0xd0: {  	[tilespmem:s0], [sflag:$0x1] =	stream.indirect_vreg.gather [hbm4b:s5+s3], $0x80, v3, vm0, $0xb8;
	[tilespmem:$0x15900] =	vst v63  }
0xd1: {  	v3 =	vld [tilespmem:s26+$0xFFFFFF80];
	_ =	sdelay $0x4  }
0xd2: {  	v55 =	vshll.u32 v3, $0x2  }
0xd3: {  	v3 =	vand.u32 $0x7, v3;
	v4 =	vand.u32 $0xFFFFFFE0, v55  }
0xd4: {  	v3 =	vor.u32 v3, v4  }
0xd5: {  	v4 =	vperm.xlane v3, v0;
	_ =	sdelay $0x1  }
0xd6: {  	v4 =	vadd.s32 v1, v4;
	_ =	sdelay $0x1  }
0xd7: {  	v3 =	vperm.xlane v3, v2;
	_ =	sdelay $0x1  }
0xd8: {  	s30 =	simm.s32 $0x3900;
	v3 =	vadd.s32 v1, v3  }
0xd9: {  	[tilespmem:s30], [sflag:$0x1] =	stream.indirect_vreg.gather [hbm4b:s1+s3], $0x80, v4, vm0, $0xb8;
	[tilespmem:$0x15900] =	vst v63  }
0xda: {  	s30 =	simm.s32 $0x4100  }
0xdb: {  	[tilespmem:s30], [sflag:$0x1] =	stream.indirect_vreg.gather [hbm4b:s5+s3], $0x80, v4, vm0, $0xb8;
	[tilespmem:$0x15900] =	vst v63  }
0xdc: {  	s30 =	simm.s32 $0x4900  }
0xdd: {  	[tilespmem:s30], [sflag:$0x1] =	stream.indirect_vreg.gather [hbm4b:s1+s3], $0x80, v3, vm0, $0xb8;
	[tilespmem:$0x15900] =	vst v63  }
0xde: {  	_ = 	snop  }
0xdf: {  	[tilespmem:s7], [sflag:$0x1] =	stream.indirect_vreg.gather [hbm4b:s5+s3], $0x80, v3, vm0, $0xb8;
	[tilespmem:$0x15900] =	vst v63  }
0xe0: {  	v3 =	vld [tilespmem:s26+$0xFFFFFF90];
	_ =	sdelay $0x4  }
0xe1: {  	v56 =	vshll.u32 v3, $0x2  }
0xe2: {  	v3 =	vand.u32 $0x7, v3;
	v4 =	vand.u32 $0xFFFFFFE0, v56  }
0xe3: {  	v3 =	vor.u32 v3, v4  }
0xe4: {  	v4 =	vperm.xlane v3, v0;
	_ =	sdelay $0x1  }
0xe5: {  	v4 =	vadd.s32 v1, v4;
	_ =	sdelay $0x1  }
0xe6: {  	v3 =	vperm.xlane v3, v2;
	_ =	sdelay $0x1  }
0xe7: {  	v3 =	vadd.s32 v1, v3  }
0xe8: {  	[tilespmem:s8], [sflag:$0x1] =	stream.indirect_vreg.gather [hbm4b:s1+s3], $0x80, v4, vm0, $0xb8;
	[tilespmem:$0x15900] =	vst v63  }
0xe9: {  	_ = 	snop  }
0xea: {  	[tilespmem:s9], [sflag:$0x1] =	stream.indirect_vreg.gather [hbm4b:s5+s3], $0x80, v4, vm0, $0xb8;
	[tilespmem:$0x15900] =	vst v63  }
0xeb: {  	_ = 	snop  }
0xec: {  	[tilespmem:s11], [sflag:$0x1] =	stream.indirect_vreg.gather [hbm4b:s1+s3], $0x80, v3, vm0, $0xb8;
	[tilespmem:$0x15900] =	vst v63  }
0xed: {  	_ = 	snop  }
0xee: {  	[tilespmem:s12], [sflag:$0x1] =	stream.indirect_vreg.gather [hbm4b:s5+s3], $0x80, v3, vm0, $0xb8;
	[tilespmem:$0x15900] =	vst v63  }
0xef: {  	v3 =	vld [tilespmem:s26+$0xFFFFFFA0];
	_ =	sdelay $0x4  }
0xf0: {  	v57 =	vshll.u32 v3, $0x2  }
0xf1: {  	v3 =	vand.u32 $0x7, v3;
	v4 =	vand.u32 $0xFFFFFFE0, v57  }
0xf2: {  	v3 =	vor.u32 v3, v4  }
0xf3: {  	v4 =	vperm.xlane v3, v0;
	_ =	sdelay $0x1  }
0xf4: {  	v4 =	vadd.s32 v1, v4;
	_ =	sdelay $0x1  }
0xf5: {  	v3 =	vperm.xlane v3, v2;
	_ =	sdelay $0x1  }
0xf6: {  	v3 =	vadd.s32 v1, v3  }
0xf7: {  	[tilespmem:s13], [sflag:$0x1] =	stream.indirect_vreg.gather [hbm4b:s1+s3], $0x80, v4, vm0, $0xb8;
	[tilespmem:$0x15900] =	vst v63  }
0xf8: {  	_ = 	snop  }
0xf9: {  	[tilespmem:s14], [sflag:$0x1] =	stream.indirect_vreg.gather [hbm4b:s5+s3], $0x80, v4, vm0, $0xb8;
	[tilespmem:$0x15900] =	vst v63  }
0xfa: {  	_ = 	snop  }
0xfb: {  	[tilespmem:s15], [sflag:$0x1] =	stream.indirect_vreg.gather [hbm4b:s1+s3], $0x80, v3, vm0, $0xb8;
	[tilespmem:$0x15900] =	vst v63  }
0xfc: {  	_ = 	snop  }
0xfd: {  	[tilespmem:s16], [sflag:$0x1] =	stream.indirect_vreg.gather [hbm4b:s5+s3], $0x80, v3, vm0, $0xb8;
	[tilespmem:$0x15900] =	vst v63  }
0xfe: {  	v3 =	vld [tilespmem:s26+$0xFFFFFFB0];
	_ =	sdelay $0x4  }
0xff: {  	v58 =	vshll.u32 v3, $0x2  }
0x100: {  	v3 =	vand.u32 $0x7, v3;
	v4 =	vand.u32 $0xFFFFFFE0, v58  }
0x101: {  	v3 =	vor.u32 v3, v4  }
0x102: {  	v4 =	vperm.xlane v3, v0;
	_ =	sdelay $0x1  }
0x103: {  	v4 =	vadd.s32 v1, v4;
	_ =	sdelay $0x1  }
0x104: {  	v3 =	vperm.xlane v3, v2;
	_ =	sdelay $0x1  }
0x105: {  	v3 =	vadd.s32 v1, v3  }
0x106: {  	[tilespmem:s17], [sflag:$0x1] =	stream.indirect_vreg.gather [hbm4b:s1+s3], $0x80, v4, vm0, $0xb8;
	[tilespmem:$0x15900] =	vst v63  }
0x107: {  	_ = 	snop  }
0x108: {  	[tilespmem:s18], [sflag:$0x1] =	stream.indirect_vreg.gather [hbm4b:s5+s3], $0x80, v4, vm0, $0xb8;
	[tilespmem:$0x15900] =	vst v63  }
0x109: {  	s28 =	rddreg [dreg:$0x4]  }
0x10a: {  	[tilespmem:s19], [sflag:$0x1] =	stream.indirect_vreg.gather [hbm4b:s1+s3], $0x80, v3, vm0, $0xb8;
	[tilespmem:$0x15900] =	vst v63  }
0x10b: {  	s28 =	sadd.s32 s25, s28  }
0x10c: {  	[tilespmem:s20], [sflag:$0x1] =	stream.indirect_vreg.gather [hbm4b:s5+s3], $0x80, v3, vm0, $0xb8;
	[tilespmem:$0x15900] =	vst v63  }
0x10d: {  	s29 =	sadd.s32 $0x62C00, s28;
	s30 =	simm.s32 $0xB900  }
0x10e: {  	[hbm4b:s29+s3] =	stream.linear.scatter [tilespmem:s30], [sflag:$0x2], $0xA000, $0x38;
	[tilespmem:$0x15900] =	vst v63  }
0x10f: {  	_ =	swait.ge [sflag:s31], $0xA000  }
0x110: {  	[sflag:s31] =	ssyncset.done $0x0  }
0x111: {  	[sflag:s31] =	ssyncadd.s32 $0xFFFF6000  }
0x112: {  	_ =	swait.ge [sflag:s24], $0xA000  }
0x113: {  	[sflag:s24] =	ssyncset.done $0x0  }
0x114: {  	[sflag:s24] =	ssyncadd.s32 $0xFFFF6000  }
0x115: {  	v3 =	vld [tilespmem:s26+$0xFFFFFFC0];
	_ =	sdelay $0x4  }
0x116: {  	v59 =	vshll.u32 v3, $0x2  }
0x117: {  	v3 =	vand.u32 $0x7, v3;
	v4 =	vand.u32 $0xFFFFFFE0, v59  }
0x118: {  	v3 =	vor.u32 v3, v4  }
0x119: {  	v4 =	vperm.xlane v3, v0;
	_ =	sdelay $0x1  }
0x11a: {  	v4 =	vadd.s32 v1, v4;
	_ =	sdelay $0x1  }
0x11b: {  	v3 =	vperm.xlane v3, v2;
	_ =	sdelay $0x1  }
0x11c: {  	v3 =	vadd.s32 v1, v3  }
0x11d: {  	[tilespmem:s30], [sflag:$0x1] =	stream.indirect_vreg.gather [hbm4b:s1+s3], $0x80, v4, vm0, $0xb8;
	[tilespmem:$0x15900] =	vst v63  }
0x11e: {  	_ = 	snop  }
0x11f: {  	[tilespmem:s21], [sflag:$0x1] =	stream.indirect_vreg.gather [hbm4b:s5+s3], $0x80, v4, vm0, $0xb8;
	[tilespmem:$0x15900] =	vst v63  }
0x120: {  	_ = 	snop  }
0x121: {  	[tilespmem:s22], [sflag:$0x1] =	stream.indirect_vreg.gather [hbm4b:s1+s3], $0x80, v3, vm0, $0xb8;
	[tilespmem:$0x15900] =	vst v63  }
0x122: {  	_ = 	snop  }
0x123: {  	[tilespmem:s23], [sflag:$0x1] =	stream.indirect_vreg.gather [hbm4b:s5+s3], $0x80, v3, vm0, $0xb8;
	[tilespmem:$0x15900] =	vst v63  }
0x124: {  	v3 =	vld [tilespmem:s26+$0xFFFFFFD0];
	_ =	sdelay $0x4  }
0x125: {  	v60 =	vshll.u32 v3, $0x2  }
0x126: {  	v3 =	vand.u32 $0x7, v3;
	v4 =	vand.u32 $0xFFFFFFE0, v60  }
0x127: {  	v3 =	vor.u32 v3, v4  }
0x128: {  	v4 =	vperm.xlane v3, v0;
	_ =	sdelay $0x1  }
0x129: {  	v4 =	vadd.s32 v1, v4;
	_ =	sdelay $0x1  }
0x12a: {  	v3 =	vperm.xlane v3, v2;
	_ =	sdelay $0x1  }
0x12b: {  	v3 =	vadd.s32 v1, v3  }
0x12c: {  	[tilespmem:s10], [sflag:$0x1] =	stream.indirect_vreg.gather [hbm4b:s1+s3], $0x80, v4, vm0, $0xb8;
	[tilespmem:$0x15900] =	vst v63  }
0x12d: {  	s30 =	simm.s32 $0xE100  }
0x12e: {  	[tilespmem:s30], [sflag:$0x1] =	stream.indirect_vreg.gather [hbm4b:s5+s3], $0x80, v4, vm0, $0xb8;
	[tilespmem:$0x15900] =	vst v63  }
0x12f: {  	s30 =	simm.s32 $0xE900  }
0x130: {  	[tilespmem:s30], [sflag:$0x1] =	stream.indirect_vreg.gather [hbm4b:s1+s3], $0x80, v3, vm0, $0xb8;
	[tilespmem:$0x15900] =	vst v63  }
0x131: {  	s30 =	simm.s32 $0xF100  }
0x132: {  	[tilespmem:s30], [sflag:$0x1] =	stream.indirect_vreg.gather [hbm4b:s5+s3], $0x80, v3, vm0, $0xb8;
	[tilespmem:$0x15900] =	vst v63  }
0x133: {  	v3 =	vld [tilespmem:s26+$0xFFFFFFE0];
	_ =	sdelay $0x4  }
0x134: {  	v61 =	vshll.u32 v3, $0x2  }
0x135: {  	v3 =	vand.u32 $0x7, v3;
	v4 =	vand.u32 $0xFFFFFFE0, v61  }
0x136: {  	v3 =	vor.u32 v3, v4  }
0x137: {  	v4 =	vperm.xlane v3, v0;
	_ =	sdelay $0x1  }
0x138: {  	v4 =	vadd.s32 v1, v4;
	_ =	sdelay $0x1  }
0x139: {  	v3 =	vperm.xlane v3, v2;
	_ =	sdelay $0x1  }
0x13a: {  	s30 =	simm.s32 $0xF900;
	v3 =	vadd.s32 v1, v3  }
0x13b: {  	[tilespmem:s30], [sflag:$0x1] =	stream.indirect_vreg.gather [hbm4b:s1+s3], $0x80, v4, vm0, $0xb8;
	[tilespmem:$0x15900] =	vst v63  }
0x13c: {  	s30 =	simm.s32 $0x10100  }
0x13d: {  	[tilespmem:s30], [sflag:$0x1] =	stream.indirect_vreg.gather [hbm4b:s5+s3], $0x80, v4, vm0, $0xb8;
	[tilespmem:$0x15900] =	vst v63  }
0x13e: {  	s30 =	simm.s32 $0x10900  }
0x13f: {  	[tilespmem:s30], [sflag:$0x1] =	stream.indirect_vreg.gather [hbm4b:s1+s3], $0x80, v3, vm0, $0xb8;
	[tilespmem:$0x15900] =	vst v63  }
0x140: {  	s30 =	simm.s32 $0x11100  }
0x141: {  	[tilespmem:s30], [sflag:$0x1] =	stream.indirect_vreg.gather [hbm4b:s5+s3], $0x80, v3, vm0, $0xb8;
	[tilespmem:$0x15900] =	vst v63  }
0x142: {  	v3 =	vld [tilespmem:s26+$0xFFFFFFF0];
	_ =	sdelay $0x4  }
0x143: {  	v62 =	vshll.u32 v3, $0x2  }
0x144: {  	v3 =	vand.u32 $0x7, v3;
	v4 =	vand.u32 $0xFFFFFFE0, v62  }
0x145: {  	v3 =	vor.u32 v3, v4  }
0x146: {  	v4 =	vperm.xlane v3, v0;
	_ =	sdelay $0x1  }
0x147: {  	v4 =	vadd.s32 v1, v4;
	_ =	sdelay $0x1  }
0x148: {  	v3 =	vperm.xlane v3, v2;
	_ =	sdelay $0x1  }
0x149: {  	s30 =	simm.s32 $0x11900;
	v3 =	vadd.s32 v1, v3  }
0x14a: {  	[tilespmem:s30], [sflag:$0x1] =	stream.indirect_vreg.gather [hbm4b:s1+s3], $0x80, v4, vm0, $0xb8;
	[tilespmem:$0x15900] =	vst v63  }
0x14b: {  	s30 =	simm.s32 $0x12100  }
0x14c: {  	[tilespmem:s30], [sflag:$0x1] =	stream.indirect_vreg.gather [hbm4b:s5+s3], $0x80, v4, vm0, $0xb8;
	[tilespmem:$0x15900] =	vst v63  }
0x14d: {  	s30 =	simm.s32 $0x12900  }
0x14e: {  	[tilespmem:s30], [sflag:$0x1] =	stream.indirect_vreg.gather [hbm4b:s1+s3], $0x80, v3, vm0, $0xb8;
	[tilespmem:$0x15900] =	vst v63  }
0x14f: {  	s30 =	simm.s32 $0x13100  }
0x150: {  	[tilespmem:s30], [sflag:$0x1] =	stream.indirect_vreg.gather [hbm4b:s5+s3], $0x80, v3, vm0, $0xb8;
	[tilespmem:$0x15900] =	vst v63  }
0x151: {  	v3 =	vld [tilespmem:s26+$0x0];
	_ =	sdelay $0x4  }
0x152: {  	v63 =	vshll.u32 v3, $0x2  }
0x153: {  	v3 =	vand.u32 $0x7, v3;
	v4 =	vand.u32 $0xFFFFFFE0, v63  }
0x154: {  	v3 =	vor.u32 v3, v4  }
0x155: {  	v4 =	vperm.xlane v3, v0;
	_ =	sdelay $0x1  }
0x156: {  	v4 =	vadd.s32 v1, v4;
	_ =	sdelay $0x1  }
0x157: {  	v3 =	vperm.xlane v3, v2;
	_ =	sdelay $0x1  }
0x158: {  	s30 =	simm.s32 $0x13900;
	v3 =	vadd.s32 v1, v3  }
0x159: {  	[tilespmem:s30], [sflag:$0x1] =	stream.indirect_vreg.gather [hbm4b:s1+s3], $0x80, v4, vm0, $0xb8;
	[tilespmem:$0x15900] =	vst v63  }
0x15a: {  	s30 =	simm.s32 $0x14100  }
0x15b: {  	[tilespmem:s30], [sflag:$0x1] =	stream.indirect_vreg.gather [hbm4b:s5+s3], $0x80, v4, vm0, $0xb8;
	[tilespmem:$0x15900] =	vst v63  }
0x15c: {  	p0 =	sne.s32 s25, $0xFFFFD800  }
0x15d: {  	[tilespmem:s4], [sflag:$0x1] =	stream.indirect_vreg.gather [hbm4b:s1+s3], $0x80, v3, vm0, $0xb8;
	[tilespmem:$0x15900] =	vst v63  }
.Ltmp0:
0x15e: {  	_ = 	snop;
	(pc) =	sbr.rel @p0 .LBB2_2-.Ltmp0, $4  }
0x15f: {  	[tilespmem:s6], [sflag:$0x1] =	stream.indirect_vreg.gather [hbm4b:s5+s3], $0x80, v3, vm0, $0xb8;
	[tilespmem:$0x15900] =	vst v63  }
0x160: {  	s25 =	sadd.s32 $0x2800, s25;
	s28 =	sadd.s32 $0x64000, s28;
	s0 =	simm.s32 $0xB900  }
0x161: {  	[hbm4b:s28+s3] =	stream.linear.scatter [tilespmem:s2], [sflag:$0x2], $0xA000, $0x38;
	[tilespmem:$0x15900] =	vst v63  }
0x162: {  	s29 =	simm.s32 $0x2900;
	s26 =	sadd.s32 $0xA0, s26;
	s28 =	simm.s32 $0x2100  }
0x163: {  	_ =	swait.ge [sflag:s31], $0xA000  }
0x164: {  	[sflag:s31] =	ssyncset.done $0x0  }
0x165: {  	[sflag:s31] =	ssyncadd.s32 $0xFFFF6000  }
0x166: {  	s4 =	simm.s32 $0x4100;
	_ =	swait.ge [sflag:s24], $0xA000  }
0x167: {  	s6 =	simm.s32 $0x4900;
	s7 =	simm.s32 $0x5100;
	[sflag:s24] =	ssyncset.done $0x0  }
0x168: {  	s8 =	simm.s32 $0x5900;
	s25 =	rddreg [dreg:$0x7];
	[sflag:s24] =	ssyncadd.s32 $0xFFFF6000  }
0x169: {  	[hbm4b:s25+s3] =	stream.linear.scatter [tilespmem:s0], [sflag:$0x2], $0xA000, $0x38;
	[tilespmem:$0x15900] =	vst v63  }
0x16a: {  	s9 =	simm.s32 $0x6100;
	s11 =	simm.s32 $0x6900;
	_ =	swait.ge [sflag:s24], $0xA000  }
0x16b: {  	s12 =	simm.s32 $0x7100;
	s13 =	simm.s32 $0x7900;
	s2 =	rddreg [dreg:$0x9]  }
0x16c: {  	s14 =	simm.s32 $0x8100;
	s26 =	rddreg [dreg:$0x8];
	s2 =	sadd.s32 $0x1, s2  }
0x16d: {  	s15 =	simm.s32 $0x8900;
	s16 =	simm.s32 $0x9100;
	p0 =	sne.s32 s2, s26  }
.Ltmp1:
0x16e: {  	s17 =	simm.s32 $0x9900;
	s18 =	simm.s32 $0xA100;
	(pc) =	sbr.rel @p0 .LBB2_1-.Ltmp1, $4  }
0x16f: {  	s19 =	simm.s32 $0xA900;
	s20 =	simm.s32 $0xB100;
	s21 =	simm.s32 $0xC100  }
0x170: {  	s22 =	simm.s32 $0xC900;
	s23 =	simm.s32 $0xD100;
	[sflag:s24] =	ssyncset.done $0x0  }
0x171: {  	s10 =	simm.s32 $0xD900;
	s30 =	simm.s32 $0x1900;
	[sflag:s24] =	ssyncadd.s32 $0xFFFF6000  }
0x172: {  	[dreg:$0x9] =	wrdreg s2;
	s26 =	simm.s32 $0x3100;
	s2 =	simm.s32 $0x3900  }
0x173: {  	_ =	sfence.sel $0x180000  }
0x174: {  	[bflag:$0x0] =	sbarrier.arrive $0xFFFF  }
0x175: {  	_ =	strace $0x90000047  }
0x176: {  	s0 =	stileid.u32;
	[bflag:$0x2] =	sbarrier.arrive $0xFFFF  }
0x177: {  	p0 =	sne.s32 s0, $0x0;
	s0 =	rddreg [dreg:$0x3]  }
0x178: {  	s0 =	sadd.s32 @!p0 $0x100000, s0  }
0x179: {  	[sflag:s0] =	ssyncadd.tile.s32 @!p0 $0x1;
	_ =	shalt  }
.Lfunc_end2:
_tile_overlayer_lowered:
.L_overlay_start_2:
0x17a: {  	(tag) =	ssettag $0x2  }
0x17b: {  	s0 =	rddreg [dreg:$0x0];
	s2 =	stileid.u32  }
0x17c: {  	s1 =	rddreg [dreg:$0x1];
	p0 =	sne.s32 s2, $0x0  }
0x17d: {  	s3 =	rddreg [dreg:$0x2];
	[bflag:$0x3] =	sbarrier.arrive $0xFFFF;
	s2 =	simm.s32 @!p0 $0x1C03  }
0x17e: {  	[timem:s3], [sflag:s2] =	dma.local @!p0 [hbm:s0], s1  }
0x17f: {  	s0 =	simm.s32 @!p0 $0x3  }
0x180: {  	_ =	swait.ge @!p0 [sflag:s0], s1  }
0x181: {  	s1 =	ssub.s32 @!p0 $0x0, s1;
	[sflag:s0] =	ssyncset.done @!p0 $0x0  }
0x182: {  	[sflag:s0] =	ssyncadd.s32 @!p0 s1  }
0x183: {  	[bflag:$0x3] =	sbarrier.arrive $0xFFFF  }
0x184: {  	_ =	shalt  }

</sc_bundles>
